<compile_context>
chip_gen: v7x
topology: tpu7x:2x2x1
jax: 0.10.2.dev20260603
libtpu: 0.0.44.dev20260713+nightly
codegen_flags: <defaults>
</compile_context>

<pallas_src>
import functools

import jax
import jax.numpy as jnp
from jax import lax
from jax.experimental import pallas as pl
from jax.experimental.pallas import tpu as pltpu
from jax.experimental.pallas import tpu_sc as plsc

N = 10000
E = 320000
IN_C = 128
OUT_C = 32
HEADS = 4

_NC = 1
_NS = 16
_NW = _NC * _NS
_EPW = E // _NW
_L = 16
_UNROLL = 25


def _degree_body(col_hbm, out_hbm, idx_v, cnt_v, sem):
    cid = lax.axis_index("c")
    sid = lax.axis_index("s")
    wid = sid * _NC + cid

    cp_idx = pltpu.async_copy(col_hbm.at[wid], idx_v, sem)

    zeros = jnp.zeros((_L,), jnp.float32)

    def zbody(i, carry):
        base = i * (_L * _UNROLL)
        for k in range(_UNROLL):
            cnt_v[pl.ds(base + k * _L, _L)] = zeros
        return carry

    lax.fori_loop(0, N // (_L * _UNROLL), zbody, 0)
    cp_idx.wait()

    ones = jnp.ones((_L,), jnp.float32)

    def body(i, carry):
        base = i * (_L * _UNROLL)
        for k in range(_UNROLL):
            idx = idx_v[pl.ds(base + k * _L, _L)]
            plsc.addupdate_scatter(cnt_v, [idx], ones)
        return carry

    lax.fori_loop(0, _EPW // (_L * _UNROLL), body, 0)

    pltpu.sync_copy(cnt_v, out_hbm.at[wid])


_degree_kernel = functools.partial(
    pl.kernel,
    mesh=plsc.VectorSubcoreMesh(core_axis_name="c", subcore_axis_name="s",
                                num_cores=_NC),
    out_type=jax.ShapeDtypeStruct((_NW, N), jnp.float32),
    scratch_types=[
        pltpu.VMEM((_EPW,), jnp.int32),
        pltpu.VMEM((N,), jnp.float32),
        pltpu.SemaphoreType.DMA,
    ],
    compiler_params=pltpu.CompilerParams(needs_layout_passes=False),
)(_degree_body)


def _proj_body(x_ref, w_ref, cnt_ref, o_ref):
    xp = jnp.dot(x_ref[...], w_ref[...], preferred_element_type=jnp.float32)
    cnt = jnp.sum(cnt_ref[...], axis=0)
    o_ref[...] = jnp.where(cnt[:, None] > 0.0, xp, 0.0)


def kernel(x, edge_index, edge_attr, W, W_edge, a):
    col = edge_index[1].astype(jnp.int32).reshape(_NW, _EPW)
    counts = _degree_kernel(col)

    out = pl.pallas_call(
        _proj_body,
        out_shape=jax.ShapeDtypeStruct((N, HEADS * OUT_C), jnp.float32),
    )(x, W, counts)
    return out

# --- scband reference (transcript-rebuilt; emitter-appended) ---
"""Pipeline reference for scband-graph-attention-layer-76965813944553 (READ-ONLY COPY).

The authoritative reference and input builder live on the scoring server;
editing this copy changes nothing except your own understanding.
"""

import jax, jax.numpy as jnp
import numpy as np

N = 10000
E = 320000
IN_C = 128
OUT_C = 32
HEADS = 4
EDGE_C = 16


def setup_inputs(seed: int = 0) -> dict:
    key = jax.random.key(seed)
    k1, k2, k3, k4, k5, k6 = jax.random.split(key, 6)
    x = jax.random.normal(k1, (N, IN_C), dtype=jnp.float32)
    edge_index = jax.random.randint(k2, (2, E), 0, N, dtype=jnp.int64)
    edge_attr = jax.random.normal(k3, (E, EDGE_C), dtype=jnp.float32)
    # parameters (torch nn.Linear weight is [out, in]; we store transposed for x @ W)
    W = jax.random.normal(k4, (IN_C, HEADS * OUT_C), dtype=jnp.float32) * (1.0 / np.sqrt(IN_C))
    W_edge = jax.random.normal(k5, (EDGE_C, HEADS), dtype=jnp.float32) * (1.0 / np.sqrt(EDGE_C))
    # xavier_uniform for a: shape [heads, 2*out_channels]
    limit = float(np.sqrt(6.0 / (HEADS + 2 * OUT_C)))
    a = jax.random.uniform(k6, (HEADS, 2 * OUT_C), dtype=jnp.float32, minval=-limit, maxval=limit)
    return {"x": x, "edge_index": edge_index, "edge_attr": edge_attr, "W": W, "W_edge": W_edge, "a": a}


def reference(x, edge_index, edge_attr, W, W_edge, a):
    n = x.shape[0]
    row = edge_index[0]
    col = edge_index[1]
    xp = (x @ W).reshape(n, HEADS, OUT_C)
    x_i = xp[row]  # [E, H, C]
    x_j = xp[col]  # [E, H, C]
    alpha = (jnp.concatenate([x_i, x_j], axis=-1) * a).sum(axis=-1)  # [E, H]
    edge_weight = edge_attr @ W_edge  # [E, H]
    alpha = alpha + edge_weight
    alpha = jnp.where(alpha >= 0, alpha, 0.2 * alpha)  # leaky_relu(0.2)
    # segment softmax over destination nodes (col)
    alpha_max = jax.ops.segment_max(alpha, col, num_segments=n)  # [N, H]
    alpha = jnp.exp(alpha - alpha_max[col])
    alpha_sum = jax.ops.segment_sum(alpha, col, num_segments=n)
    alpha_sum = jnp.clip(alpha_sum, 1e-10, None)
    alpha = alpha / alpha_sum[col]
    # dropout is identity in eval mode
    out = jax.ops.segment_sum(x_j * alpha[:, :, None], col, num_segments=n)  # [N, H, C]
    return out.reshape(n, -1)

if __name__ == "__main__":
    import jax
    _d = setup_inputs()
    print(jax.jit(kernel)(*tuple(_d.values())))

</pallas_src>

<mosaic_0001>
#map = affine_map<(d0, d1) -> (0, 0)>
module attributes {stable_mosaic.version = 14 : i64} {
  func.func @_degree_body(%arg0: i32, %arg1: i32, %arg2: memref<16x20000xi32, #tpu.memory_space<hbm>>, %arg3: memref<16x10000xf32, #tpu.memory_space<hbm>>, %arg4: memref<20000xi32, #tpu.memory_space<vmem>>, %arg5: memref<10000xf32, #tpu.memory_space<vmem>>, %arg6: memref<!tpu.dma_semaphore, #tpu.memory_space<semaphore_mem>>) attributes {dimension_semantics = [#tpu.dimension_semantics<core_parallel>, #tpu.dimension_semantics<subcore_parallel>], iteration_bounds = array<i64: 1, 16>, scalar_prefetch = 0 : i64, scratch_operands = 3 : i64, tpu.core_type = #tpu.core_type<sc_vector_subcore>, window_params = [{transform_indices = #map}, {transform_indices = #map}]} {
    %mul3A = arith.constant 1 : i32
    %mul3A_0 = arith.muli %arg1, %mul3A : i32
    %add3A = arith.addi %mul3A_0, %arg0 : i32
    %dma_start3A = arith.constant 0 : i32
    %dma_start3A_1 = tpu.memref_slice %arg2[%add3A, %dma_start3A] : memref<16x20000xi32, #tpu.memory_space<hbm>> -> memref<1x20000xi32, #tpu.memory_space<hbm>>
    %dma_start3A_2 = tpu.memref_squeeze %dma_start3A_1 : memref<1x20000xi32, #tpu.memory_space<hbm>> -> memref<20000xi32, #tpu.memory_space<hbm>>
    %dma_start3A_3 = arith.constant 0 : i32
    %dma_start3A_4 = tpu.memref_slice %arg2[%add3A, %dma_start3A_3] : memref<16x20000xi32, #tpu.memory_space<hbm>> -> memref<1x20000xi32, #tpu.memory_space<hbm>>
    %dma_start3A_5 = tpu.memref_squeeze %dma_start3A_4 : memref<1x20000xi32, #tpu.memory_space<hbm>> -> memref<20000xi32, #tpu.memory_space<hbm>>
    tpu.enqueue_dma source(%dma_start3A_5 : memref<20000xi32, #tpu.memory_space<hbm>>) target(%arg4 : memref<20000xi32, #tpu.memory_space<vmem>>) target_semaphore(%arg6 : memref<!tpu.dma_semaphore, #tpu.memory_space<semaphore_mem>>)
    %broadcast_in_dim3A = arith.constant 0.000000e+00 : f32
    %broadcast_in_dim3A_6 = vector.broadcast %broadcast_in_dim3A : f32 to vector<16xf32>
    %scan3A = arith.constant 0 : i32
    %scan3A_7 = arith.constant 0 : i32
    %scan3A_8 = arith.constant 25 : i32
    %scan3A_9 = arith.addi %scan3A_7, %scan3A_8 : i32
    %scan3A_10 = arith.constant 1 : i32
    scf.for %scan3A_25 = %scan3A_7 to %scan3A_9 step %scan3A_10  : i32 {
      %mul3A_26 = arith.constant 400 : i32
      %mul3A_27 = arith.muli %scan3A_25, %mul3A_26 : i32
      %add3A_28 = arith.constant 0 : i32
      %add3A_29 = arith.addi %mul3A_27, %add3A_28 : i32
      %swap3A = arith.index_cast %add3A_29 : i32 to index
      %swap3A_30 = tpu.vector_load %arg5[%swap3A] {strides = array<i32>} : memref<10000xf32, #tpu.memory_space<vmem>>, vector<16xf32>,
      tpu.vector_store %arg5[%swap3A], %broadcast_in_dim3A_6 {strides = array<i32>} : memref<10000xf32, #tpu.memory_space<vmem>>, vector<16xf32>,
      %add3A_31 = arith.constant 16 : i32
      %add3A_32 = arith.addi %mul3A_27, %add3A_31 : i32
      %swap3A_33 = arith.index_cast %add3A_32 : i32 to index
      %swap3A_34 = tpu.vector_load %arg5[%swap3A_33] {strides = array<i32>} : memref<10000xf32, #tpu.memory_space<vmem>>, vector<16xf32>,
      tpu.vector_store %arg5[%swap3A_33], %broadcast_in_dim3A_6 {strides = array<i32>} : memref<10000xf32, #tpu.memory_space<vmem>>, vector<16xf32>,
      %add3A_35 = arith.constant 32 : i32
      %add3A_36 = arith.addi %mul3A_27, %add3A_35 : i32
      %swap3A_37 = arith.index_cast %add3A_36 : i32 to index
      %swap3A_38 = tpu.vector_load %arg5[%swap3A_37] {strides = array<i32>} : memref<10000xf32, #tpu.memory_space<vmem>>, vector<16xf32>,
      tpu.vector_store %arg5[%swap3A_37], %broadcast_in_dim3A_6 {strides = array<i32>} : memref<10000xf32, #tpu.memory_space<vmem>>, vector<16xf32>,
      %add3A_39 = arith.constant 48 : i32
      %add3A_40 = arith.addi %mul3A_27, %add3A_39 : i32
      %swap3A_41 = arith.index_cast %add3A_40 : i32 to index
      %swap3A_42 = tpu.vector_load %arg5[%swap3A_41] {strides = array<i32>} : memref<10000xf32, #tpu.memory_space<vmem>>, vector<16xf32>,
      tpu.vector_store %arg5[%swap3A_41], %broadcast_in_dim3A_6 {strides = array<i32>} : memref<10000xf32, #tpu.memory_space<vmem>>, vector<16xf32>,
      %add3A_43 = arith.constant 64 : i32
      %add3A_44 = arith.addi %mul3A_27, %add3A_43 : i32
      %swap3A_45 = arith.index_cast %add3A_44 : i32 to index
      %swap3A_46 = tpu.vector_load %arg5[%swap3A_45] {strides = array<i32>} : memref<10000xf32, #tpu.memory_space<vmem>>, vector<16xf32>,
      tpu.vector_store %arg5[%swap3A_45], %broadcast_in_dim3A_6 {strides = array<i32>} : memref<10000xf32, #tpu.memory_space<vmem>>, vector<16xf32>,
      %add3A_47 = arith.constant 80 : i32
      %add3A_48 = arith.addi %mul3A_27, %add3A_47 : i32
      %swap3A_49 = arith.index_cast %add3A_48 : i32 to index
      %swap3A_50 = tpu.vector_load %arg5[%swap3A_49] {strides = array<i32>} : memref<10000xf32, #tpu.memory_space<vmem>>, vector<16xf32>,
      tpu.vector_store %arg5[%swap3A_49], %broadcast_in_dim3A_6 {strides = array<i32>} : memref<10000xf32, #tpu.memory_space<vmem>>, vector<16xf32>,
      %add3A_51 = arith.constant 96 : i32
      %add3A_52 = arith.addi %mul3A_27, %add3A_51 : i32
      %swap3A_53 = arith.index_cast %add3A_52 : i32 to index
      %swap3A_54 = tpu.vector_load %arg5[%swap3A_53] {strides = array<i32>} : memref<10000xf32, #tpu.memory_space<vmem>>, vector<16xf32>,
      tpu.vector_store %arg5[%swap3A_53], %broadcast_in_dim3A_6 {strides = array<i32>} : memref<10000xf32, #tpu.memory_space<vmem>>, vector<16xf32>,
      %add3A_55 = arith.constant 112 : i32
      %add3A_56 = arith.addi %mul3A_27, %add3A_55 : i32
      %swap3A_57 = arith.index_cast %add3A_56 : i32 to index
      %swap3A_58 = tpu.vector_load %arg5[%swap3A_57] {strides = array<i32>} : memref<10000xf32, #tpu.memory_space<vmem>>, vector<16xf32>,
      tpu.vector_store %arg5[%swap3A_57], %broadcast_in_dim3A_6 {strides = array<i32>} : memref<10000xf32, #tpu.memory_space<vmem>>, vector<16xf32>,
      %add3A_59 = arith.constant 128 : i32
      %add3A_60 = arith.addi %mul3A_27, %add3A_59 : i32
      %swap3A_61 = arith.index_cast %add3A_60 : i32 to index
      %swap3A_62 = tpu.vector_load %arg5[%swap3A_61] {strides = array<i32>} : memref<10000xf32, #tpu.memory_space<vmem>>, vector<16xf32>,
      tpu.vector_store %arg5[%swap3A_61], %broadcast_in_dim3A_6 {strides = array<i32>} : memref<10000xf32, #tpu.memory_space<vmem>>, vector<16xf32>,
      %add3A_63 = arith.constant 144 : i32
      %add3A_64 = arith.addi %mul3A_27, %add3A_63 : i32
      %swap3A_65 = arith.index_cast %add3A_64 : i32 to index
      %swap3A_66 = tpu.vector_load %arg5[%swap3A_65] {strides = array<i32>} : memref<10000xf32, #tpu.memory_space<vmem>>, vector<16xf32>,
      tpu.vector_store %arg5[%swap3A_65], %broadcast_in_dim3A_6 {strides = array<i32>} : memref<10000xf32, #tpu.memory_space<vmem>>, vector<16xf32>,
      %add3A_67 = arith.constant 160 : i32
      %add3A_68 = arith.addi %mul3A_27, %add3A_67 : i32
      %swap3A_69 = arith.index_cast %add3A_68 : i32 to index
      %swap3A_70 = tpu.vector_load %arg5[%swap3A_69] {strides = array<i32>} : memref<10000xf32, #tpu.memory_space<vmem>>, vector<16xf32>,
      tpu.vector_store %arg5[%swap3A_69], %broadcast_in_dim3A_6 {strides = array<i32>} : memref<10000xf32, #tpu.memory_space<vmem>>, vector<16xf32>,
      %add3A_71 = arith.constant 176 : i32
      %add3A_72 = arith.addi %mul3A_27, %add3A_71 : i32
      %swap3A_73 = arith.index_cast %add3A_72 : i32 to index
      %swap3A_74 = tpu.vector_load %arg5[%swap3A_73] {strides = array<i32>} : memref<10000xf32, #tpu.memory_space<vmem>>, vector<16xf32>,
      tpu.vector_store %arg5[%swap3A_73], %broadcast_in_dim3A_6 {strides = array<i32>} : memref<10000xf32, #tpu.memory_space<vmem>>, vector<16xf32>,
      %add3A_75 = arith.constant 192 : i32
      %add3A_76 = arith.addi %mul3A_27, %add3A_75 : i32
      %swap3A_77 = arith.index_cast %add3A_76 : i32 to index
      %swap3A_78 = tpu.vector_load %arg5[%swap3A_77] {strides = array<i32>} : memref<10000xf32, #tpu.memory_space<vmem>>, vector<16xf32>,
      tpu.vector_store %arg5[%swap3A_77], %broadcast_in_dim3A_6 {strides = array<i32>} : memref<10000xf32, #tpu.memory_space<vmem>>, vector<16xf32>,
      %add3A_79 = arith.constant 208 : i32
      %add3A_80 = arith.addi %mul3A_27, %add3A_79 : i32
      %swap3A_81 = arith.index_cast %add3A_80 : i32 to index
      %swap3A_82 = tpu.vector_load %arg5[%swap3A_81] {strides = array<i32>} : memref<10000xf32, #tpu.memory_space<vmem>>, vector<16xf32>,
      tpu.vector_store %arg5[%swap3A_81], %broadcast_in_dim3A_6 {strides = array<i32>} : memref<10000xf32, #tpu.memory_space<vmem>>, vector<16xf32>,
      %add3A_83 = arith.constant 224 : i32
      %add3A_84 = arith.addi %mul3A_27, %add3A_83 : i32
      %swap3A_85 = arith.index_cast %add3A_84 : i32 to index
      %swap3A_86 = tpu.vector_load %arg5[%swap3A_85] {strides = array<i32>} : memref<10000xf32, #tpu.memory_space<vmem>>, vector<16xf32>,
      tpu.vector_store %arg5[%swap3A_85], %broadcast_in_dim3A_6 {strides = array<i32>} : memref<10000xf32, #tpu.memory_space<vmem>>, vector<16xf32>,
      %add3A_87 = arith.constant 240 : i32
      %add3A_88 = arith.addi %mul3A_27, %add3A_87 : i32
      %swap3A_89 = arith.index_cast %add3A_88 : i32 to index
      %swap3A_90 = tpu.vector_load %arg5[%swap3A_89] {strides = array<i32>} : memref<10000xf32, #tpu.memory_space<vmem>>, vector<16xf32>,
      tpu.vector_store %arg5[%swap3A_89], %broadcast_in_dim3A_6 {strides = array<i32>} : memref<10000xf32, #tpu.memory_space<vmem>>, vector<16xf32>,
      %add3A_91 = arith.constant 256 : i32
      %add3A_92 = arith.addi %mul3A_27, %add3A_91 : i32
      %swap3A_93 = arith.index_cast %add3A_92 : i32 to index
      %swap3A_94 = tpu.vector_load %arg5[%swap3A_93] {strides = array<i32>} : memref<10000xf32, #tpu.memory_space<vmem>>, vector<16xf32>,
      tpu.vector_store %arg5[%swap3A_93], %broadcast_in_dim3A_6 {strides = array<i32>} : memref<10000xf32, #tpu.memory_space<vmem>>, vector<16xf32>,
      %add3A_95 = arith.constant 272 : i32
      %add3A_96 = arith.addi %mul3A_27, %add3A_95 : i32
      %swap3A_97 = arith.index_cast %add3A_96 : i32 to index
      %swap3A_98 = tpu.vector_load %arg5[%swap3A_97] {strides = array<i32>} : memref<10000xf32, #tpu.memory_space<vmem>>, vector<16xf32>,
      tpu.vector_store %arg5[%swap3A_97], %broadcast_in_dim3A_6 {strides = array<i32>} : memref<10000xf32, #tpu.memory_space<vmem>>, vector<16xf32>,
      %add3A_99 = arith.constant 288 : i32
      %add3A_100 = arith.addi %mul3A_27, %add3A_99 : i32
      %swap3A_101 = arith.index_cast %add3A_100 : i32 to index
      %swap3A_102 = tpu.vector_load %arg5[%swap3A_101] {strides = array<i32>} : memref<10000xf32, #tpu.memory_space<vmem>>, vector<16xf32>,
      tpu.vector_store %arg5[%swap3A_101], %broadcast_in_dim3A_6 {strides = array<i32>} : memref<10000xf32, #tpu.memory_space<vmem>>, vector<16xf32>,
      %add3A_103 = arith.constant 304 : i32
      %add3A_104 = arith.addi %mul3A_27, %add3A_103 : i32
      %swap3A_105 = arith.index_cast %add3A_104 : i32 to index
      %swap3A_106 = tpu.vector_load %arg5[%swap3A_105] {strides = array<i32>} : memref<10000xf32, #tpu.memory_space<vmem>>, vector<16xf32>,
      tpu.vector_store %arg5[%swap3A_105], %broadcast_in_dim3A_6 {strides = array<i32>} : memref<10000xf32, #tpu.memory_space<vmem>>, vector<16xf32>,
      %add3A_107 = arith.constant 320 : i32
      %add3A_108 = arith.addi %mul3A_27, %add3A_107 : i32
      %swap3A_109 = arith.index_cast %add3A_108 : i32 to index
      %swap3A_110 = tpu.vector_load %arg5[%swap3A_109] {strides = array<i32>} : memref<10000xf32, #tpu.memory_space<vmem>>, vector<16xf32>,
      tpu.vector_store %arg5[%swap3A_109], %broadcast_in_dim3A_6 {strides = array<i32>} : memref<10000xf32, #tpu.memory_space<vmem>>, vector<16xf32>,
      %add3A_111 = arith.constant 336 : i32
      %add3A_112 = arith.addi %mul3A_27, %add3A_111 : i32
      %swap3A_113 = arith.index_cast %add3A_112 : i32 to index
      %swap3A_114 = tpu.vector_load %arg5[%swap3A_113] {strides = array<i32>} : memref<10000xf32, #tpu.memory_space<vmem>>, vector<16xf32>,
      tpu.vector_store %arg5[%swap3A_113], %broadcast_in_dim3A_6 {strides = array<i32>} : memref<10000xf32, #tpu.memory_space<vmem>>, vector<16xf32>,
      %add3A_115 = arith.constant 352 : i32
      %add3A_116 = arith.addi %mul3A_27, %add3A_115 : i32
      %swap3A_117 = arith.index_cast %add3A_116 : i32 to index
      %swap3A_118 = tpu.vector_load %arg5[%swap3A_117] {strides = array<i32>} : memref<10000xf32, #tpu.memory_space<vmem>>, vector<16xf32>,
      tpu.vector_store %arg5[%swap3A_117], %broadcast_in_dim3A_6 {strides = array<i32>} : memref<10000xf32, #tpu.memory_space<vmem>>, vector<16xf32>,
      %add3A_119 = arith.constant 368 : i32
      %add3A_120 = arith.addi %mul3A_27, %add3A_119 : i32
      %swap3A_121 = arith.index_cast %add3A_120 : i32 to index
      %swap3A_122 = tpu.vector_load %arg5[%swap3A_121] {strides = array<i32>} : memref<10000xf32, #tpu.memory_space<vmem>>, vector<16xf32>,
      tpu.vector_store %arg5[%swap3A_121], %broadcast_in_dim3A_6 {strides = array<i32>} : memref<10000xf32, #tpu.memory_space<vmem>>, vector<16xf32>,
      %add3A_123 = arith.constant 384 : i32
      %add3A_124 = arith.addi %mul3A_27, %add3A_123 : i32
      %swap3A_125 = arith.index_cast %add3A_124 : i32 to index
      %swap3A_126 = tpu.vector_load %arg5[%swap3A_125] {strides = array<i32>} : memref<10000xf32, #tpu.memory_space<vmem>>, vector<16xf32>,
      tpu.vector_store %arg5[%swap3A_125], %broadcast_in_dim3A_6 {strides = array<i32>} : memref<10000xf32, #tpu.memory_space<vmem>>, vector<16xf32>,
    }
    %scan3A_11 = arith.constant 25 : i32
    %dma_wait3A = arith.constant 0 : i32
    %dma_wait3A_12 = tpu.memref_slice %arg2[%add3A, %dma_wait3A] : memref<16x20000xi32, #tpu.memory_space<hbm>> -> memref<1x20000xi32, #tpu.memory_space<hbm>>
    %dma_wait3A_13 = tpu.memref_squeeze %dma_wait3A_12 : memref<1x20000xi32, #tpu.memory_space<hbm>> -> memref<20000xi32, #tpu.memory_space<hbm>>
    %dma_wait3A_14 = arith.constant 0 : i32
    %dma_wait3A_15 = tpu.memref_slice %arg2[%add3A, %dma_wait3A_14] : memref<16x20000xi32, #tpu.memory_space<hbm>> -> memref<1x20000xi32, #tpu.memory_space<hbm>>
    %dma_wait3A_16 = tpu.memref_squeeze %dma_wait3A_15 : memref<1x20000xi32, #tpu.memory_space<hbm>> -> memref<20000xi32, #tpu.memory_space<hbm>>
    tpu.wait_dma2 semaphore(%arg6 : memref<!tpu.dma_semaphore, #tpu.memory_space<semaphore_mem>>) src(%dma_wait3A_16 : memref<20000xi32, #tpu.memory_space<hbm>>) dst(%arg4 : memref<20000xi32, #tpu.memory_space<vmem>>)
    %broadcast_in_dim3A_17 = arith.constant 1.000000e+00 : f32
    %broadcast_in_dim3A_18 = vector.broadcast %broadcast_in_dim3A_17 : f32 to vector<16xf32>
    %scan3A_19 = arith.constant 0 : i32
    %scan3A_20 = arith.constant 0 : i32
    %scan3A_21 = arith.constant 50 : i32
    %scan3A_22 = arith.addi %scan3A_20, %scan3A_21 : i32
    %scan3A_23 = arith.constant 1 : i32
    scf.for %scan3A_25 = %scan3A_20 to %scan3A_22 step %scan3A_23  : i32 {
      %mul3A_26 = arith.constant 400 : i32
      %mul3A_27 = arith.muli %scan3A_25, %mul3A_26 : i32
      %add3A_28 = arith.constant 0 : i32
      %add3A_29 = arith.addi %mul3A_27, %add3A_28 : i32
      %get3A = arith.index_cast %add3A_29 : i32 to index
      %get3A_30 = tpu.vector_load %arg4[%get3A] {strides = array<i32>} : memref<20000xi32, #tpu.memory_space<vmem>>, vector<16xi32>,
      tpu.vector_store_idx %arg5[%get3A_30], %broadcast_in_dim3A_18 {add = true} : memref<10000xf32, #tpu.memory_space<vmem>>[vector<16xi32>], vector<16xf32>,
      %add3A_31 = arith.constant 16 : i32
      %add3A_32 = arith.addi %mul3A_27, %add3A_31 : i32
      %get3A_33 = arith.index_cast %add3A_32 : i32 to index
      %get3A_34 = tpu.vector_load %arg4[%get3A_33] {strides = array<i32>} : memref<20000xi32, #tpu.memory_space<vmem>>, vector<16xi32>,
      tpu.vector_store_idx %arg5[%get3A_34], %broadcast_in_dim3A_18 {add = true} : memref<10000xf32, #tpu.memory_space<vmem>>[vector<16xi32>], vector<16xf32>,
      %add3A_35 = arith.constant 32 : i32
      %add3A_36 = arith.addi %mul3A_27, %add3A_35 : i32
      %get3A_37 = arith.index_cast %add3A_36 : i32 to index
      %get3A_38 = tpu.vector_load %arg4[%get3A_37] {strides = array<i32>} : memref<20000xi32, #tpu.memory_space<vmem>>, vector<16xi32>,
      tpu.vector_store_idx %arg5[%get3A_38], %broadcast_in_dim3A_18 {add = true} : memref<10000xf32, #tpu.memory_space<vmem>>[vector<16xi32>], vector<16xf32>,
      %add3A_39 = arith.constant 48 : i32
      %add3A_40 = arith.addi %mul3A_27, %add3A_39 : i32
      %get3A_41 = arith.index_cast %add3A_40 : i32 to index
      %get3A_42 = tpu.vector_load %arg4[%get3A_41] {strides = array<i32>} : memref<20000xi32, #tpu.memory_space<vmem>>, vector<16xi32>,
      tpu.vector_store_idx %arg5[%get3A_42], %broadcast_in_dim3A_18 {add = true} : memref<10000xf32, #tpu.memory_space<vmem>>[vector<16xi32>], vector<16xf32>,
      %add3A_43 = arith.constant 64 : i32
      %add3A_44 = arith.addi %mul3A_27, %add3A_43 : i32
      %get3A_45 = arith.index_cast %add3A_44 : i32 to index
      %get3A_46 = tpu.vector_load %arg4[%get3A_45] {strides = array<i32>} : memref<20000xi32, #tpu.memory_space<vmem>>, vector<16xi32>,
      tpu.vector_store_idx %arg5[%get3A_46], %broadcast_in_dim3A_18 {add = true} : memref<10000xf32, #tpu.memory_space<vmem>>[vector<16xi32>], vector<16xf32>,
      %add3A_47 = arith.constant 80 : i32
      %add3A_48 = arith.addi %mul3A_27, %add3A_47 : i32
      %get3A_49 = arith.index_cast %add3A_48 : i32 to index
      %get3A_50 = tpu.vector_load %arg4[%get3A_49] {strides = array<i32>} : memref<20000xi32, #tpu.memory_space<vmem>>, vector<16xi32>,
      tpu.vector_store_idx %arg5[%get3A_50], %broadcast_in_dim3A_18 {add = true} : memref<10000xf32, #tpu.memory_space<vmem>>[vector<16xi32>], vector<16xf32>,
      %add3A_51 = arith.constant 96 : i32
      %add3A_52 = arith.addi %mul3A_27, %add3A_51 : i32
      %get3A_53 = arith.index_cast %add3A_52 : i32 to index
      %get3A_54 = tpu.vector_load %arg4[%get3A_53] {strides = array<i32>} : memref<20000xi32, #tpu.memory_space<vmem>>, vector<16xi32>,
      tpu.vector_store_idx %arg5[%get3A_54], %broadcast_in_dim3A_18 {add = true} : memref<10000xf32, #tpu.memory_space<vmem>>[vector<16xi32>], vector<16xf32>,
      %add3A_55 = arith.constant 112 : i32
      %add3A_56 = arith.addi %mul3A_27, %add3A_55 : i32
      %get3A_57 = arith.index_cast %add3A_56 : i32 to index
      %get3A_58 = tpu.vector_load %arg4[%get3A_57] {strides = array<i32>} : memref<20000xi32, #tpu.memory_space<vmem>>, vector<16xi32>,
      tpu.vector_store_idx %arg5[%get3A_58], %broadcast_in_dim3A_18 {add = true} : memref<10000xf32, #tpu.memory_space<vmem>>[vector<16xi32>], vector<16xf32>,
      %add3A_59 = arith.constant 128 : i32
      %add3A_60 = arith.addi %mul3A_27, %add3A_59 : i32
      %get3A_61 = arith.index_cast %add3A_60 : i32 to index
      %get3A_62 = tpu.vector_load %arg4[%get3A_61] {strides = array<i32>} : memref<20000xi32, #tpu.memory_space<vmem>>, vector<16xi32>,
      tpu.vector_store_idx %arg5[%get3A_62], %broadcast_in_dim3A_18 {add = true} : memref<10000xf32, #tpu.memory_space<vmem>>[vector<16xi32>], vector<16xf32>,
      %add3A_63 = arith.constant 144 : i32
      %add3A_64 = arith.addi %mul3A_27, %add3A_63 : i32
      %get3A_65 = arith.index_cast %add3A_64 : i32 to index
      %get3A_66 = tpu.vector_load %arg4[%get3A_65] {strides = array<i32>} : memref<20000xi32, #tpu.memory_space<vmem>>, vector<16xi32>,
      tpu.vector_store_idx %arg5[%get3A_66], %broadcast_in_dim3A_18 {add = true} : memref<10000xf32, #tpu.memory_space<vmem>>[vector<16xi32>], vector<16xf32>,
      %add3A_67 = arith.constant 160 : i32
      %add3A_68 = arith.addi %mul3A_27, %add3A_67 : i32
      %get3A_69 = arith.index_cast %add3A_68 : i32 to index
      %get3A_70 = tpu.vector_load %arg4[%get3A_69] {strides = array<i32>} : memref<20000xi32, #tpu.memory_space<vmem>>, vector<16xi32>,
      tpu.vector_store_idx %arg5[%get3A_70], %broadcast_in_dim3A_18 {add = true} : memref<10000xf32, #tpu.memory_space<vmem>>[vector<16xi32>], vector<16xf32>,
      %add3A_71 = arith.constant 176 : i32
      %add3A_72 = arith.addi %mul3A_27, %add3A_71 : i32
      %get3A_73 = arith.index_cast %add3A_72 : i32 to index
      %get3A_74 = tpu.vector_load %arg4[%get3A_73] {strides = array<i32>} : memref<20000xi32, #tpu.memory_space<vmem>>, vector<16xi32>,
      tpu.vector_store_idx %arg5[%get3A_74], %broadcast_in_dim3A_18 {add = true} : memref<10000xf32, #tpu.memory_space<vmem>>[vector<16xi32>], vector<16xf32>,
      %add3A_75 = arith.constant 192 : i32
      %add3A_76 = arith.addi %mul3A_27, %add3A_75 : i32
      %get3A_77 = arith.index_cast %add3A_76 : i32 to index
      %get3A_78 = tpu.vector_load %arg4[%get3A_77] {strides = array<i32>} : memref<20000xi32, #tpu.memory_space<vmem>>, vector<16xi32>,
      tpu.vector_store_idx %arg5[%get3A_78], %broadcast_in_dim3A_18 {add = true} : memref<10000xf32, #tpu.memory_space<vmem>>[vector<16xi32>], vector<16xf32>,
      %add3A_79 = arith.constant 208 : i32
      %add3A_80 = arith.addi %mul3A_27, %add3A_79 : i32
      %get3A_81 = arith.index_cast %add3A_80 : i32 to index
      %get3A_82 = tpu.vector_load %arg4[%get3A_81] {strides = array<i32>} : memref<20000xi32, #tpu.memory_space<vmem>>, vector<16xi32>,
      tpu.vector_store_idx %arg5[%get3A_82], %broadcast_in_dim3A_18 {add = true} : memref<10000xf32, #tpu.memory_space<vmem>>[vector<16xi32>], vector<16xf32>,
      %add3A_83 = arith.constant 224 : i32
      %add3A_84 = arith.addi %mul3A_27, %add3A_83 : i32
      %get3A_85 = arith.index_cast %add3A_84 : i32 to index
      %get3A_86 = tpu.vector_load %arg4[%get3A_85] {strides = array<i32>} : memref<20000xi32, #tpu.memory_space<vmem>>, vector<16xi32>,
      tpu.vector_store_idx %arg5[%get3A_86], %broadcast_in_dim3A_18 {add = true} : memref<10000xf32, #tpu.memory_space<vmem>>[vector<16xi32>], vector<16xf32>,
      %add3A_87 = arith.constant 240 : i32
      %add3A_88 = arith.addi %mul3A_27, %add3A_87 : i32
      %get3A_89 = arith.index_cast %add3A_88 : i32 to index
      %get3A_90 = tpu.vector_load %arg4[%get3A_89] {strides = array<i32>} : memref<20000xi32, #tpu.memory_space<vmem>>, vector<16xi32>,
      tpu.vector_store_idx %arg5[%get3A_90], %broadcast_in_dim3A_18 {add = true} : memref<10000xf32, #tpu.memory_space<vmem>>[vector<16xi32>], vector<16xf32>,
      %add3A_91 = arith.constant 256 : i32
      %add3A_92 = arith.addi %mul3A_27, %add3A_91 : i32
      %get3A_93 = arith.index_cast %add3A_92 : i32 to index
      %get3A_94 = tpu.vector_load %arg4[%get3A_93] {strides = array<i32>} : memref<20000xi32, #tpu.memory_space<vmem>>, vector<16xi32>,
      tpu.vector_store_idx %arg5[%get3A_94], %broadcast_in_dim3A_18 {add = true} : memref<10000xf32, #tpu.memory_space<vmem>>[vector<16xi32>], vector<16xf32>,
      %add3A_95 = arith.constant 272 : i32
      %add3A_96 = arith.addi %mul3A_27, %add3A_95 : i32
      %get3A_97 = arith.index_cast %add3A_96 : i32 to index
      %get3A_98 = tpu.vector_load %arg4[%get3A_97] {strides = array<i32>} : memref<20000xi32, #tpu.memory_space<vmem>>, vector<16xi32>,
      tpu.vector_store_idx %arg5[%get3A_98], %broadcast_in_dim3A_18 {add = true} : memref<10000xf32, #tpu.memory_space<vmem>>[vector<16xi32>], vector<16xf32>,
      %add3A_99 = arith.constant 288 : i32
      %add3A_100 = arith.addi %mul3A_27, %add3A_99 : i32
      %get3A_101 = arith.index_cast %add3A_100 : i32 to index
      %get3A_102 = tpu.vector_load %arg4[%get3A_101] {strides = array<i32>} : memref<20000xi32, #tpu.memory_space<vmem>>, vector<16xi32>,
      tpu.vector_store_idx %arg5[%get3A_102], %broadcast_in_dim3A_18 {add = true} : memref<10000xf32, #tpu.memory_space<vmem>>[vector<16xi32>], vector<16xf32>,
      %add3A_103 = arith.constant 304 : i32
      %add3A_104 = arith.addi %mul3A_27, %add3A_103 : i32
      %get3A_105 = arith.index_cast %add3A_104 : i32 to index
      %get3A_106 = tpu.vector_load %arg4[%get3A_105] {strides = array<i32>} : memref<20000xi32, #tpu.memory_space<vmem>>, vector<16xi32>,
      tpu.vector_store_idx %arg5[%get3A_106], %broadcast_in_dim3A_18 {add = true} : memref<10000xf32, #tpu.memory_space<vmem>>[vector<16xi32>], vector<16xf32>,
      %add3A_107 = arith.constant 320 : i32
      %add3A_108 = arith.addi %mul3A_27, %add3A_107 : i32
      %get3A_109 = arith.index_cast %add3A_108 : i32 to index
      %get3A_110 = tpu.vector_load %arg4[%get3A_109] {strides = array<i32>} : memref<20000xi32, #tpu.memory_space<vmem>>, vector<16xi32>,
      tpu.vector_store_idx %arg5[%get3A_110], %broadcast_in_dim3A_18 {add = true} : memref<10000xf32, #tpu.memory_space<vmem>>[vector<16xi32>], vector<16xf32>,
      %add3A_111 = arith.constant 336 : i32
      %add3A_112 = arith.addi %mul3A_27, %add3A_111 : i32
      %get3A_113 = arith.index_cast %add3A_112 : i32 to index
      %get3A_114 = tpu.vector_load %arg4[%get3A_113] {strides = array<i32>} : memref<20000xi32, #tpu.memory_space<vmem>>, vector<16xi32>,
      tpu.vector_store_idx %arg5[%get3A_114], %broadcast_in_dim3A_18 {add = true} : memref<10000xf32, #tpu.memory_space<vmem>>[vector<16xi32>], vector<16xf32>,
      %add3A_115 = arith.constant 352 : i32
      %add3A_116 = arith.addi %mul3A_27, %add3A_115 : i32
      %get3A_117 = arith.index_cast %add3A_116 : i32 to index
      %get3A_118 = tpu.vector_load %arg4[%get3A_117] {strides = array<i32>} : memref<20000xi32, #tpu.memory_space<vmem>>, vector<16xi32>,
      tpu.vector_store_idx %arg5[%get3A_118], %broadcast_in_dim3A_18 {add = true} : memref<10000xf32, #tpu.memory_space<vmem>>[vector<16xi32>], vector<16xf32>,
      %add3A_119 = arith.constant 368 : i32
      %add3A_120 = arith.addi %mul3A_27, %add3A_119 : i32
      %get3A_121 = arith.index_cast %add3A_120 : i32 to index
      %get3A_122 = tpu.vector_load %arg4[%get3A_121] {strides = array<i32>} : memref<20000xi32, #tpu.memory_space<vmem>>, vector<16xi32>,
      tpu.vector_store_idx %arg5[%get3A_122], %broadcast_in_dim3A_18 {add = true} : memref<10000xf32, #tpu.memory_space<vmem>>[vector<16xi32>], vector<16xf32>,
      %add3A_123 = arith.constant 384 : i32
      %add3A_124 = arith.addi %mul3A_27, %add3A_123 : i32
      %get3A_125 = arith.index_cast %add3A_124 : i32 to index
      %get3A_126 = tpu.vector_load %arg4[%get3A_125] {strides = array<i32>} : memref<20000xi32, #tpu.memory_space<vmem>>, vector<16xi32>,
      tpu.vector_store_idx %arg5[%get3A_126], %broadcast_in_dim3A_18 {add = true} : memref<10000xf32, #tpu.memory_space<vmem>>[vector<16xi32>], vector<16xf32>,
    }
    %scan3A_24 = arith.constant 50 : i32
    "tpu.region"() ({
      %run_scoped3A = tpu.sem_alloc : memref<!tpu.dma_semaphore, #tpu.memory_space<semaphore_mem>>
      %dma_start3A_25 = arith.constant 0 : i32
      %dma_start3A_26 = tpu.memref_slice %arg3[%add3A, %dma_start3A_25] : memref<16x10000xf32, #tpu.memory_space<hbm>> -> memref<1x10000xf32, #tpu.memory_space<hbm>>
      %dma_start3A_27 = tpu.memref_squeeze %dma_start3A_26 : memref<1x10000xf32, #tpu.memory_space<hbm>> -> memref<10000xf32, #tpu.memory_space<hbm>>
      %dma_start3A_28 = arith.constant 0 : i32
      %dma_start3A_29 = tpu.memref_slice %arg3[%add3A, %dma_start3A_28] : memref<16x10000xf32, #tpu.memory_space<hbm>> -> memref<1x10000xf32, #tpu.memory_space<hbm>>
      %dma_start3A_30 = tpu.memref_squeeze %dma_start3A_29 : memref<1x10000xf32, #tpu.memory_space<hbm>> -> memref<10000xf32, #tpu.memory_space<hbm>>
      tpu.enqueue_dma source(%arg5 : memref<10000xf32, #tpu.memory_space<vmem>>) target(%dma_start3A_30 : memref<10000xf32, #tpu.memory_space<hbm>>) target_semaphore(%run_scoped3A : memref<!tpu.dma_semaphore, #tpu.memory_space<semaphore_mem>>)
      %dma_wait3A_31 = arith.constant 0 : i32
      %dma_wait3A_32 = tpu.memref_slice %arg3[%add3A, %dma_wait3A_31] : memref<16x10000xf32, #tpu.memory_space<hbm>> -> memref<1x10000xf32, #tpu.memory_space<hbm>>
      %dma_wait3A_33 = tpu.memref_squeeze %dma_wait3A_32 : memref<1x10000xf32, #tpu.memory_space<hbm>> -> memref<10000xf32, #tpu.memory_space<hbm>>
      %dma_wait3A_34 = arith.constant 0 : i32
      %dma_wait3A_35 = tpu.memref_slice %arg3[%add3A, %dma_wait3A_34] : memref<16x10000xf32, #tpu.memory_space<hbm>> -> memref<1x10000xf32, #tpu.memory_space<hbm>>
      %dma_wait3A_36 = tpu.memref_squeeze %dma_wait3A_35 : memref<1x10000xf32, #tpu.memory_space<hbm>> -> memref<10000xf32, #tpu.memory_space<hbm>>
      tpu.wait_dma2 semaphore(%run_scoped3A : memref<!tpu.dma_semaphore, #tpu.memory_space<semaphore_mem>>) src(%arg5 : memref<10000xf32, #tpu.memory_space<vmem>>) dst(%dma_wait3A_36 : memref<10000xf32, #tpu.memory_space<hbm>>)
      tpu.yield
    }) : () -> ()
    return
  }
}

module attributes {stable_mosaic.version = 14 : i64} {
  func.func @_proj_body(%arg0: memref<10000x128xf32, #tpu.memory_space<vmem>>, %arg1: memref<128x128xf32, #tpu.memory_space<vmem>>, %arg2: memref<16x10000xf32, #tpu.memory_space<vmem>>, %arg3: memref<10000x128xf32, #tpu.memory_space<vmem>>) attributes {dimension_semantics = [], scalar_prefetch = 0 : i64, scratch_operands = 0 : i64, tpu.core_type = #tpu.core_type<tc>} {
    %get3A = arith.constant 0 : index
    %get3A_0 = arith.constant 0 : index
    %get3A_1 = vector.load %arg0[%get3A, %get3A_0] : memref<10000x128xf32, #tpu.memory_space<vmem>>, vector<10000x128xf32>
    %get3A_2 = arith.constant 0 : index
    %get3A_3 = arith.constant 0 : index
    %get3A_4 = vector.load %arg1[%get3A_2, %get3A_3] : memref<128x128xf32, #tpu.memory_space<vmem>>, vector<128x128xf32>
    %dot_general3A = arith.constant dense<0.000000e+00> : vector<10000x128xf32>
    %dot_general3A_5 = tpu.matmul %get3A_1, %get3A_4, %dot_general3A {dimension_numbers = #tpu.dot_dimension_numbers<[1], [0], [0], [1], [0, 0, 1, 1], [], []>, transpose_lhs_hint = false} : vector<10000x128xf32>, vector<128x128xf32>, vector<10000x128xf32> -> vector<10000x128xf32>
    %get3A_6 = arith.constant 0 : index
    %get3A_7 = arith.constant 0 : index
    %get3A_8 = vector.load %arg2[%get3A_6, %get3A_7] : memref<16x10000xf32, #tpu.memory_space<vmem>>, vector<16x10000xf32>
    %reduce_sum3A = arith.constant dense<0.000000e+00> : vector<10000xf32>
    %reduce_sum3A_9 = vector.multi_reduction <add>, %get3A_8, %reduce_sum3A [0] : vector<16x10000xf32> to vector<10000xf32>
    %broadcast_in_dim3A = vector.shape_cast %reduce_sum3A_9 : vector<10000xf32> to vector<10000x1xf32>
    %gt3A = arith.constant 0.000000e+00 : f32
    %gt3A_10 = vector.broadcast %gt3A : f32 to vector<10000x1xf32>
    %gt3A_11 = arith.cmpf ogt, %broadcast_in_dim3A, %gt3A_10 : vector<10000x1xf32>
    %jit3A = arith.constant 0.000000e+00 : f32
    %broadcast_in_dim3A_12 = vector.shape_cast %gt3A_11 : vector<10000x1xi1> to vector<10000x1xi1>
    %broadcast_in_dim3A_13 = vector.broadcast %broadcast_in_dim3A_12 : vector<10000x1xi1> to vector<10000x128xi1>
    %broadcast_in_dim3A_14 = vector.broadcast %jit3A : f32 to vector<10000x128xf32>
    %select_n3A = arith.select %broadcast_in_dim3A_13, %dot_general3A_5, %broadcast_in_dim3A_14 : vector<10000x128xi1>, vector<10000x128xf32>
    %swap3A = arith.constant 0 : index
    %swap3A_15 = arith.constant 0 : index
    %swap3A_16 = vector.load %arg3[%swap3A, %swap3A_15] : memref<10000x128xf32, #tpu.memory_space<vmem>>, vector<10000x128xf32>
    tpu.vector_store %arg3[%swap3A, %swap3A_15], %select_n3A {strides = array<i32>} : memref<10000x128xf32, #tpu.memory_space<vmem>>, vector<10000x128xf32>,
    return
  }
}

</mosaic_0001>

<sc_bundles>
// kernel: kernel.4.cloned.1.call-start
scs
__scs_entry_jumppad:
0x0: {  	(pc) =	sbr.rel $0x88, $3  }
0x1: {  	(tag) =	ssettag $0x0;
	lr =	simm.s32 $0x1  }
0x2: {  	[smem:$0x3F9E] =	sst lr;
	_ =	strace $0xD0000000  }
0x3: {  	_ = 	snop  }
0x4: {  	_ = 	snop  }
0x5: {  	_ = 	snop  }
0x6: {  	_ = 	snop  }
0x7: {  	_ = 	snop  }
__scs_overlays_trampoline_lowered:
0x8: {  	[smem:$0x3FAD] =	sst s0  }
0x9: {  	[smem:$0x3FAE] =	sst s1  }
0xa: {  	[smem:$0x3FAF] =	sst s2  }
0xb: {  	[smem:$0x3FB0] =	sst s3  }
0xc: {  	[smem:$0x3FB1] =	sst s4  }
0xd: {  	[smem:$0x3FB2] =	sst s5  }
0xe: {  	[smem:$0x3FB3] =	sst s6  }
0xf: {  	[smem:$0x3FB4] =	sst s7  }
0x10: {  	[smem:$0x3FB5] =	sst s8  }
0x11: {  	[smem:$0x3FB6] =	sst s9;
	s0 =	simm.s32 @!p0 $0x0  }
0x12: {  	s1 =	sld [smem:$0x3F9C];
	s0 =	simm.s32 @p0 $0x1  }
0x13: {  	[smem:$0x3FB7] =	sst s0;
	s0 =	simm.s32 @!p1 $0x0  }
0x14: {  	s2 =	sld [smem:$0x3F9B];
	s0 =	simm.s32 @p1 $0x1  }
0x15: {  	[smem:$0x3FB8] =	sst s0;
	s0 =	simm.s32 @!p2 $0x0  }
0x16: {  	s3 =	sld [smem:$0x3FDB];
	s0 =	simm.s32 @p2 $0x1  }
0x17: {  	s4 =	simm.s32 $0x1BF5;
	[smem:$0x3FBA] =	sst s0  }
0x18: {  	s0 =	sld [smem:$0x3F9D];
	_ =	swait.ge [sflag:s4], $0x0  }
0x19: {  	s7 =	sld [smem:$0x3F9E]  }
0x1a: {  	s8 =	sadd.s32 $0xFFFFE003, lr  }
0x1b: {  	s9 =	sadd.s32 $0xFFFFFEF7, lr;
	s5 =	simm.s32 $0xFFFFFFFF;
	p2 =	slt.u32 s8, $0xFFFFF086  }
0x1c: {  	p1 =	slt.u32 s9, $0xF7A;
	s5 =	simm.s32 @!p2 $0x0  }
0x1d: {  	s5 =	simm.s32 @p1 $0x1;
	p0 =	seq.s32 s7, s2  }
0x1e: {  	s7 =	smul.u32 @!p0 $0xF7A, s2;
	p2 =	seq.s32 @!p0 s5, $0x0  }
0x1f: {  	s9 =	smul.u32 $0xF7A, s1;
	s8 =	simm.s32 @!p0 $0x1BF5;
	p2 =	por !p2, p0  }
0x20: {  	[sflag:s8] =	ssyncset.s32 @!p0 $0xFFFFF086;
	s6 =	sadd.s32 @!p0 s3, s7;
	s7 =	simm.s32 @!p0 $0x108  }
0x21: {  	s3 =	sadd.s32 s3, s9;
	s6 =	sadd.s32 @!p0 $0x88, s6;
	s7 =	simm.s32 @p2 $0x1082  }
0x22: {  	[simem:s7], [sflag:s8] =	dma.local @!p0 [hbm:s6], $0xF7A  }
0x23: {  	s9 =	sor.u32 $0xD0000000, s2;
	s6 =	simm.s32 $0x108;
	_ =	swait.ge @!p0 [sflag:s8], $0x0  }
0x24: {  	s3 =	sadd.s32 $0x88, s3;
	s6 =	simm.s32 @!p1 $0x1082;
	[sflag:s4] =	ssyncset.s32 $0xFFFFF086  }
0x25: {  	[simem:s6], [sflag:s4] =	dma.local [hbm:s3], $0xF7A  }
0x26: {  	[smem:$0x3F9E] =	sst s1;
	(tag) =	ssettag s2;
	_ =	strace s9  }
0x27: {  	s1 =	sld [smem:$0x3FAE]  }
0x28: {  	s2 =	sld [smem:$0x3FAF]  }
0x29: {  	s4 =	sld [smem:$0x3FB1]  }
0x2a: {  	p0 =	seq.s32 s5, $0x0;
	s5 =	sld [smem:$0x3FB2]  }
0x2b: {  	s6 =	sld [smem:$0x3FB3]  }
0x2c: {  	s7 =	sld [smem:$0x3FB4]  }
0x2d: {  	s3 =	simm.s32 $0x108;
	s8 =	sld [smem:$0x3FB5]  }
0x2e: {  	s3 =	simm.s32 @!p0 $0x1082;
	s9 =	sld [smem:$0x3FB6]  }
0x2f: {  	lr =	sadd.s32 s0, s3;
	s0 =	sld [smem:$0x3FAD]  }
0x30: {  	s3 =	sld [smem:$0x3FB0]  }
0x31: {  	[smem:$0x3FB9] =	sst s10  }
0x32: {  	s10 =	sld [smem:$0x3FB7];
	_ =	sdelay $0x3  }
0x33: {  	p0 =	seq.s32 s10, $0x1;
	s10 =	sld [smem:$0x3FB9];
	_ =	sdelay $0x3  }
0x34: {  	[smem:$0x3FB9] =	sst s10  }
0x35: {  	s10 =	sld [smem:$0x3FB8];
	_ =	sdelay $0x3  }
0x36: {  	p1 =	seq.s32 s10, $0x1;
	s10 =	sld [smem:$0x3FB9];
	_ =	sdelay $0x3  }
0x37: {  	[smem:$0x3FB9] =	sst s10  }
0x38: {  	s10 =	sld [smem:$0x3FBA]  }
0x39: {  	_ = 	snop;
	(pc) =	sbr.ind lr, $3  }
0x3a: {  	_ = 	snop  }
0x3b: {  	_ = 	snop  }
0x3c: {  	p2 =	seq.s32 s10, $0x1;
	s10 =	sld [smem:$0x3FB9]  }
0x3d: {  	_ =	shalt  }
0x3e: {  	_ =	shalt  }
0x3f: {  	_ =	shalt  }
0x40: {  	_ =	shalt  }
0x41: {  	_ =	shalt  }
0x42: {  	_ =	shalt  }
0x43: {  	_ =	shalt  }
0x44: {  	_ =	shalt  }
0x45: {  	_ =	shalt  }
0x46: {  	_ =	shalt  }
0x47: {  	_ =	shalt  }
0x48: {  	_ =	shalt  }
0x49: {  	_ =	shalt  }
0x4a: {  	_ =	shalt  }
0x4b: {  	_ =	shalt  }
0x4c: {  	_ =	shalt  }
0x4d: {  	_ =	shalt  }
0x4e: {  	_ =	shalt  }
0x4f: {  	_ =	shalt  }
0x50: {  	_ =	shalt  }
0x51: {  	_ =	shalt  }
0x52: {  	_ =	shalt  }
0x53: {  	_ =	shalt  }
0x54: {  	_ =	shalt  }
0x55: {  	_ =	shalt  }
0x56: {  	_ =	shalt  }
0x57: {  	_ =	shalt  }
0x58: {  	_ =	shalt  }
0x59: {  	_ =	shalt  }
0x5a: {  	_ =	shalt  }
0x5b: {  	_ =	shalt  }
0x5c: {  	_ =	shalt  }
0x5d: {  	_ =	shalt  }
0x5e: {  	_ =	shalt  }
0x5f: {  	_ =	shalt  }
0x60: {  	_ =	shalt  }
0x61: {  	_ =	shalt  }
0x62: {  	_ =	shalt  }
0x63: {  	_ =	shalt  }
0x64: {  	_ =	shalt  }
0x65: {  	_ =	shalt  }
0x66: {  	_ =	shalt  }
0x67: {  	_ =	shalt  }
0x68: {  	_ =	shalt  }
0x69: {  	_ =	shalt  }
0x6a: {  	_ =	shalt  }
0x6b: {  	_ =	shalt  }
0x6c: {  	_ =	shalt  }
0x6d: {  	_ =	shalt  }
0x6e: {  	_ =	shalt  }
0x6f: {  	_ =	shalt  }
0x70: {  	_ =	shalt  }
0x71: {  	_ =	shalt  }
0x72: {  	_ =	shalt  }
0x73: {  	_ =	shalt  }
0x74: {  	_ =	shalt  }
0x75: {  	_ =	shalt  }
0x76: {  	_ =	shalt  }
0x77: {  	_ =	shalt  }
0x78: {  	_ =	shalt  }
0x79: {  	_ =	shalt  }
0x7a: {  	_ =	shalt  }
0x7b: {  	_ =	shalt  }
0x7c: {  	_ =	shalt  }
0x7d: {  	_ =	shalt  }
0x7e: {  	_ =	shalt  }
0x7f: {  	_ =	shalt  }
0x80: {  	_ =	shalt  }
0x81: {  	_ =	shalt  }
0x82: {  	_ =	shalt  }
0x83: {  	_ =	shalt  }
0x84: {  	_ =	shalt  }
0x85: {  	_ =	shalt  }
0x86: {  	_ =	shalt  }
0x87: {  	_ =	shalt  }
.Lfunc_end0:
.L_simem_size_0:
called_computation_lowered:
.L_overlay_start_0:
0x88: {  	s0 =	sld [smem:$0x3FD9]  }
0x89: {  	s1 =	sld [smem:$0x3FFE];
	_ =	sdelay $0x3  }
0x8a: {  	s0 =	sadd.s32 s1, s0  }
0x8b: {  	[smem:$0x3FC5] =	sst s0  }
0x8c: {  	_ = 	snop  }
0x8d: {  	s0 =	sld [smem:$0x3FD0];
	(tm) =	ssettm $0x1  }
0x8e: {  	s16 =	sld [smem:$0x3FFB];
	_ =	sdelay $0x3  }
0x8f: {  	_ =	strace s16  }
0x90: {  	s1 =	sld [smem:$0x3FFC];
	_ =	sdelay $0x3  }
0x91: {  	_ =	strace s1  }
0x92: {  	s1 =	sld [smem:$0x3FFD];
	_ =	sdelay $0x3  }
0x93: {  	_ =	strace s1  }
0x94: {  	_ =	strace $0x8FFFFFFF  }
0x95: {  	s17 =	sld [smem:$0x3FDB];
	_ =	sdelay $0x1  }
0x96: {  	s2 =	simm.s32 $_scs_section_size  }
0x97: {  	s3 =	simm.s32 $_size__tile_overlayer_lowered;
	s4 =	simm.s32 $_tile_overlayer_lowered  }
0x98: {  	s20 =	simm.s32 $0x1BFF;
	s19 =	sshll.u32 s4, $0x1;
	s1 =	sadd.s32 s2, s17  }
0x99: {  	s5 =	simm.s32 $0x0;
	s18 =	sshll.u32 s3, $0x1;
	s3 =	sadd.s32 s19, s1  }
0x9a: {  	[timem:s5], [sflag:s20] =	dma.local [hbm:s3], s18  }
0x9b: {  	_ =	swait.ge [sflag:s20], s18  }
0x9c: {  	s2 =	ssub.s32 $0x0, s18;
	[sflag:s20] =	ssyncset.done $0x0  }
0x9d: {  	[sflag:s20] =	ssyncadd.s32 s2;
	_ =	sdelay $0x1  }
0x9e: {  	s21 =	simm.s32 $0x1B8B  }
0x9f: {  	_ =	swait.ge [sflag:s21], $0x1  }
0xa0: {  	[sflag:s21] =	ssyncset.done $0x0  }
0xa1: {  	s23 =	simm.s32 $0x1B8E;
	s22 =	sld [smem:$0x3FFE];
	[sflag:s21] =	ssyncadd.s32 $0xFFFFFFFF  }
0xa2: {  	s24 =	simm.s32 $execute0_lowered;
	[smem:$0x3FD2] =	sst s23  }
0xa3: {  	s3 =	sshll.u32 s24, $0x1;
	_ =	strace $0x80000046;
	[dreg:$0x1] =	wrdreg $0xFFFFFFFF  }
0xa4: {  	s25 =	simm.s32 $_size_execute0_lowered;
	s1 =	sadd.s32 s1, s3;
	[dreg:$0x0] =	wrdreg $0x0  }
0xa5: {  	s3 =	sshll.u32 s25, $0x1;
	[dreg:$0x2] =	wrdreg s1  }
0xa6: {  	[dreg:$0x3] =	wrdreg s3  }
0xa7: {  	[dreg:$0x4] =	wrdreg $0xC0  }
0xa8: {  	_ =	task [dreg:s5], $0x5FFFF  }
0xa9: {  	[dreg:$0x1] =	wrdreg $0xFFFFFFFF  }
0xaa: {  	[dreg:$0x0] =	wrdreg $0x60  }
0xab: {  	[dreg:$0x2] =	wrdreg s0  }
0xac: {  	[dreg:$0x3] =	wrdreg s22  }
0xad: {  	[dreg:$0x4] =	wrdreg $0x9  }
0xae: {  	_ =	task.clear_ibuf [dreg:s5], $0x5FFFF;
	_ =	strace $0x90000046  }
0xaf: {  	s26 =	simm.s32 $0x9;
	_ =	strace $0x80000048  }
0xb0: {  	_ =	swait.ge [sflag:s26], $0x1  }
0xb1: {  	[sflag:s26] =	ssyncadd.s32 $0xFFFFFFFF  }
0xb2: {  	_ =	strace $0x90000048  }
0xb3: {  	_ =	sfence  }
0xb4: {  	s28 =	sld [smem:$0x0];
	_ =	sdelay $0x1  }
0xb5: {  	s29 =	srdreg.scid  }
0xb6: {  	s30 =	sshll.u32 s29, $0xD;
	s31 =	sshrl.u32 s29, $0x2  }
0xb7: {  	s2 =	sand.u32 $0x4000, s30;
	s1 =	sand.u32 $0x1, s29;
	s0 =	sadd.s32 s31, s28  }
0xb8: {  	s1 =	sor.u32 s2, s1;
	s0 =	sshll.u32 s0, $0x11  }
0xb9: {  	s0 =	sor.u32 s0, s1  }
0xba: {  	s0 =	sadd.s32 $0x8F2B, s0  }
0xbb: {  	[sflag:s0] =	ssyncadd.remote.s32 $0x1  }
0xbc: {  	_ =	sfence.sel $0xFFFF  }
0xbd: {  	[dreg:$0x0] =	wrdreg $0xFFFFFFFF;
	(pc) =	sbr.abs _section_cstart, $3  }
0xbe: {  	[dreg:$0x1] =	wrdreg $0xFFFFFFFF  }
0xbf: {  	_ =	task.clear_ibuf [dreg:s5], $0x2FFFF;
	_ =	strace $0x9FFFFFFF  }
0xc0: {  	(tm) =	ssettm $0x7FFFFFFF  }
0xc1: {  	_ =	shalt  }
tec
execute0_lowered:
.L_overlay_start_1:
0x0: {  	(tag) =	ssettag $0x1  }
0x1: {  	s0 =	stileid.u32  }
0x2: {  	s4 =	rddreg [dreg:$0x0];
	s2 =	sshrl.u32 s0, $0x3  }
0x3: {  	s7 =	rddreg [dreg:$0x1];
	s3 =	sshll.u32 s0, $0x7;
	s5 =	smul.u32 $0x27400, s2  }
0x4: {  	s1 =	rddreg [dreg:$0x2];
	s3 =	sand.u32 $0x380, s3  }
0x5: {  	s6 =	simm.s32 $0x0;
	s31 =	simm.s32 $0x80;
	s5 =	sor.u32 s3, s5  }
0x6: {  	s8 =	simm.s32 $0x400;
	[smem:$0x7FF] =	sst s6;
	s5 =	sshrl.u32 s5, $0x3  }
0x7: {  	_ =	strace $0x80000047;
	s4 =	sadd.s32 s4, s5;
	s5 =	simm.s32 $0x4F40  }
0x8: {  	v0 =	vimm.f32 $0.0e+00;
	[tilespmem:s6], [sflag:$0x1] =	stream.strided.gather [hbm4b:s4+s31], $0x4E80, s8, s31, $0x38;
	[tilespmem:$0x7600] =	vst v63  }
0x9: {  	[tilespmem:s5+$0xFFFFFF40] =	vst v0  }
0xa: {  	[tilespmem:s5+$0xFFFFFFB0] =	vst v0  }
0xb: {  	[tilespmem:s5+$0xFFFFFFA0] =	vst v0  }
0xc: {  	[tilespmem:s5+$0xFFFFFF90] =	vst v0  }
0xd: {  	[tilespmem:s5+$0xFFFFFF80] =	vst v0  }
0xe: {  	[tilespmem:s5+$0xFFFFFF70] =	vst v0  }
0xf: {  	[tilespmem:s5+$0xFFFFFF60] =	vst v0  }
0x10: {  	s6 =	sand.u32 $0x3FF0, s6;
	[tilespmem:s5+$0xFFFFFF50] =	vst v0  }
0x11: {  	[tilespmem:s6+$0x4F00] =	vst v0  }
0x12: {  	[tilespmem:s5+$0x30] =	vst v0  }
0x13: {  	[tilespmem:s5+$0x20] =	vst v0  }
0x14: {  	s4 =	sadd.s32 $0x600, s7;
	s7 =	simm.s32 $0x190;
	s8 =	simm.s32 $0x4F40;
	[tilespmem:s5+$0x10] =	vst v0  }
.LBB2_1:
0x15: {  	p0 =	sne.s32 s7, $0x2580  }
0x16: {  	[tilespmem:s5+$0x0] =	vst v0;
	s8 =	sadd.s32 $0x190, s8;
	s9 =	smov.u32 s7;
	s7 =	sadd.s32 $0x190, s7  }
0x17: {  	[tilespmem:s5+$0xFFFFFFF0] =	vst v0  }
0x18: {  	[tilespmem:s5+$0xFFFFFFD0] =	vst v0  }
0x19: {  	[tilespmem:s5+$0xFFFFFFE0] =	vst v0  }
0x1a: {  	[tilespmem:s6+$0x4F80] =	vst v0  }
0x1b: {  	[tilespmem:s5+$0x50] =	vst v0  }
0x1c: {  	[tilespmem:s5+$0xB0] =	vst v0  }
0x1d: {  	[tilespmem:s5+$0xA0] =	vst v0  }
0x1e: {  	[tilespmem:s5+$0x90] =	vst v0  }
0x1f: {  	[tilespmem:s5+$0x80] =	vst v0  }
0x20: {  	[tilespmem:s5+$0x60] =	vst v0  }
0x21: {  	[tilespmem:s5+$0x70] =	vst v0;
	s5 =	smov.u32 s8  }
0x22: {  	[tilespmem:s6+$0x5000] =	vst v0  }
0x23: {  	[tilespmem:s8+$0xFFFFFF40] =	vst v0  }
0x24: {  	[tilespmem:s8+$0xFFFFFFB0] =	vst v0  }
0x25: {  	[tilespmem:s8+$0xFFFFFFA0] =	vst v0  }
0x26: {  	[tilespmem:s8+$0xFFFFFF90] =	vst v0  }
0x27: {  	[tilespmem:s8+$0xFFFFFF80] =	vst v0  }
0x28: {  	[tilespmem:s8+$0xFFFFFF70] =	vst v0  }
0x29: {  	[tilespmem:s8+$0xFFFFFF60] =	vst v0  }
.Ltmp0:
0x2a: {  	s6 =	sand.u32 $0x3FF0, s9;
	[tilespmem:s8+$0xFFFFFF50] =	vst v0;
	(pc) =	sbr.rel @p0 .LBB2_1-.Ltmp0, $4  }
0x2b: {  	[tilespmem:s6+$0x4F00] =	vst v0  }
0x2c: {  	[tilespmem:s8+$0x30] =	vst v0  }
0x2d: {  	[tilespmem:s8+$0x20] =	vst v0  }
0x2e: {  	[tilespmem:s8+$0x10] =	vst v0  }
0x2f: {  	[tilespmem:s5+$0x0] =	vst v0  }
0x30: {  	[tilespmem:s5+$0xFFFFFFF0] =	vst v0  }
0x31: {  	[tilespmem:s5+$0xFFFFFFD0] =	vst v0  }
0x32: {  	[tilespmem:s5+$0xFFFFFFE0] =	vst v0  }
0x33: {  	[tilespmem:s6+$0x4F80] =	vst v0  }
0x34: {  	[tilespmem:s5+$0x50] =	vst v0  }
0x35: {  	[tilespmem:s5+$0xB0] =	vst v0  }
0x36: {  	[tilespmem:s5+$0xA0] =	vst v0  }
0x37: {  	[tilespmem:s5+$0x90] =	vst v0  }
0x38: {  	[tilespmem:s5+$0x80] =	vst v0  }
0x39: {  	[tilespmem:s5+$0x60] =	vst v0  }
0x3a: {  	[tilespmem:s5+$0x70] =	vst v0  }
0x3b: {  	s31 =	simm.s32 $0x1;
	[tilespmem:s6+$0x5000] =	vst v0  }
0x3c: {  	_ =	swait.ge [sflag:s31], $0x4E80  }
0x3d: {  	s7 =	simm.s32 $0x4E80;
	[sflag:s31] =	ssyncset.done $0x0  }
0x3e: {  	s5 =	simm.s32 $0x0;
	s6 =	simm.s32 $0xC0;
	v0 =	vimm.f32 $1.000000000e+00;
	[sflag:s31] =	ssyncadd.s32 $0xFFFFB180  }
.LBB2_3:
0x3f: {  	v1 =	vld [tilespmem:s6+$0xFFFFFF40];
	_ =	sdelay $0x7  }
0x40: {  	[tilespmem:v1+s7+$0x0] =	vst.idx.add.f32.msk $0xffff, v0  }
0x41: {  	v1 =	vld [tilespmem:s6+$0xFFFFFF50];
	_ =	sdelay $0x7  }
0x42: {  	[tilespmem:v1+s7+$0x0] =	vst.idx.add.f32.msk $0xffff, v0  }
0x43: {  	v1 =	vld [tilespmem:s6+$0xFFFFFF60];
	_ =	sdelay $0x7  }
0x44: {  	[tilespmem:v1+s7+$0x0] =	vst.idx.add.f32.msk $0xffff, v0  }
0x45: {  	v1 =	vld [tilespmem:s6+$0xFFFFFF70];
	_ =	sdelay $0x7  }
0x46: {  	[tilespmem:v1+s7+$0x0] =	vst.idx.add.f32.msk $0xffff, v0  }
0x47: {  	v1 =	vld [tilespmem:s6+$0xFFFFFF80];
	_ =	sdelay $0x7  }
0x48: {  	[tilespmem:v1+s7+$0x0] =	vst.idx.add.f32.msk $0xffff, v0  }
0x49: {  	v1 =	vld [tilespmem:s6+$0xFFFFFF90];
	_ =	sdelay $0x7  }
0x4a: {  	[tilespmem:v1+s7+$0x0] =	vst.idx.add.f32.msk $0xffff, v0  }
0x4b: {  	v1 =	vld [tilespmem:s6+$0xFFFFFFA0];
	_ =	sdelay $0x7  }
0x4c: {  	[tilespmem:v1+s7+$0x0] =	vst.idx.add.f32.msk $0xffff, v0  }
0x4d: {  	v1 =	vld [tilespmem:s6+$0xFFFFFFB0];
	_ =	sdelay $0x7  }
0x4e: {  	s8 =	sand.u32 $0x7FF0, s5;
	[tilespmem:v1+s7+$0x0] =	vst.idx.add.f32.msk $0xffff, v0  }
0x4f: {  	v1 =	vld [tilespmem:s8+$0x80];
	_ =	sdelay $0x7  }
0x50: {  	[tilespmem:v1+s7+$0x0] =	vst.idx.add.f32.msk $0xffff, v0  }
0x51: {  	v1 =	vld [tilespmem:s6+$0xFFFFFFD0];
	_ =	sdelay $0x7  }
0x52: {  	[tilespmem:v1+s7+$0x0] =	vst.idx.add.f32.msk $0xffff, v0  }
0x53: {  	v1 =	vld [tilespmem:s6+$0xFFFFFFE0];
	_ =	sdelay $0x7  }
0x54: {  	[tilespmem:v1+s7+$0x0] =	vst.idx.add.f32.msk $0xffff, v0  }
0x55: {  	v1 =	vld [tilespmem:s6+$0xFFFFFFF0];
	_ =	sdelay $0x7  }
0x56: {  	[tilespmem:v1+s7+$0x0] =	vst.idx.add.f32.msk $0xffff, v0  }
0x57: {  	v1 =	vld [tilespmem:s6+$0x0];
	_ =	sdelay $0x7  }
0x58: {  	[tilespmem:v1+s7+$0x0] =	vst.idx.add.f32.msk $0xffff, v0  }
0x59: {  	v1 =	vld [tilespmem:s6+$0x10];
	_ =	sdelay $0x7  }
0x5a: {  	[tilespmem:v1+s7+$0x0] =	vst.idx.add.f32.msk $0xffff, v0  }
0x5b: {  	v1 =	vld [tilespmem:s6+$0x20];
	_ =	sdelay $0x7  }
0x5c: {  	[tilespmem:v1+s7+$0x0] =	vst.idx.add.f32.msk $0xffff, v0  }
0x5d: {  	v1 =	vld [tilespmem:s6+$0x30];
	_ =	sdelay $0x7  }
0x5e: {  	[tilespmem:v1+s7+$0x0] =	vst.idx.add.f32.msk $0xffff, v0  }
0x5f: {  	v1 =	vld [tilespmem:s8+$0x100];
	_ =	sdelay $0x7  }
0x60: {  	[tilespmem:v1+s7+$0x0] =	vst.idx.add.f32.msk $0xffff, v0  }
0x61: {  	v1 =	vld [tilespmem:s6+$0x50];
	_ =	sdelay $0x7  }
0x62: {  	[tilespmem:v1+s7+$0x0] =	vst.idx.add.f32.msk $0xffff, v0  }
0x63: {  	v1 =	vld [tilespmem:s6+$0x60];
	_ =	sdelay $0x7  }
0x64: {  	[tilespmem:v1+s7+$0x0] =	vst.idx.add.f32.msk $0xffff, v0  }
0x65: {  	v1 =	vld [tilespmem:s6+$0x70];
	_ =	sdelay $0x7  }
0x66: {  	[tilespmem:v1+s7+$0x0] =	vst.idx.add.f32.msk $0xffff, v0  }
0x67: {  	v1 =	vld [tilespmem:s6+$0x80];
	_ =	sdelay $0x7  }
0x68: {  	[tilespmem:v1+s7+$0x0] =	vst.idx.add.f32.msk $0xffff, v0  }
0x69: {  	v1 =	vld [tilespmem:s6+$0x90];
	_ =	sdelay $0x7  }
0x6a: {  	[tilespmem:v1+s7+$0x0] =	vst.idx.add.f32.msk $0xffff, v0  }
0x6b: {  	v1 =	vld [tilespmem:s6+$0xA0];
	_ =	sdelay $0x7  }
0x6c: {  	[tilespmem:v1+s7+$0x0] =	vst.idx.add.f32.msk $0xffff, v0  }
0x6d: {  	v1 =	vld [tilespmem:s6+$0xB0];
	_ =	sdelay $0x7  }
0x6e: {  	[tilespmem:v1+s7+$0x0] =	vst.idx.add.f32.msk $0xffff, v0  }
0x6f: {  	v1 =	vld [tilespmem:s8+$0x180];
	_ =	sdelay $0x2  }
0x70: {  	p0 =	sne.s32 s5, $0x4C90  }
.Ltmp1:
0x71: {  	_ = 	snop;
	(pc) =	sbr.rel @p0 .LBB2_3-.Ltmp1, $2  }
0x72: {  	_ =	sdelay $0x2  }
0x73: {  	s5 =	sadd.s32 $0x190, s5;
	s6 =	sadd.s32 $0x190, s6;
	[tilespmem:v1+s7+$0x0] =	vst.idx.add.f32.msk $0xffff, v0  }
0x74: {  	s2 =	smul.u32 $0x13C00, s2;
	_ =	sdelay $0x1  }
0x75: {  	s2 =	sor.u32 s3, s2  }
0x76: {  	s29 =	simm.s32 $0x80;
	s30 =	simm.s32 $0x400;
	s2 =	sshrl.u32 s2, $0x3  }
0x77: {  	s5 =	simm.s32 $0x4E80;
	s31 =	simm.s32 $0x2;
	s2 =	sadd.s32 s4, s2  }
0x78: {  	[hbm4b:s2+s29] =	stream.strided.scatter [tilespmem:s5], [sflag:$0x2], $0x2780, s30, s29, $0x38;
	[tilespmem:$0x7600] =	vst v63  }
0x79: {  	_ =	swait.ge [sflag:s31], $0x2780  }
0x7a: {  	[sflag:s31] =	ssyncset.done $0x0  }
0x7b: {  	[sflag:s31] =	ssyncadd.s32 $0xFFFFD880  }
0x7c: {  	_ =	sfence.sel $0x180000  }
0x7d: {  	[bflag:$0x0] =	sbarrier.arrive $0xFFFF  }
0x7e: {  	p0 =	sne.s32 s0, $0x0;
	_ =	strace $0x90000047  }
0x7f: {  	s0 =	sadd.s32 @!p0 $0x100000, s1;
	[bflag:$0x2] =	sbarrier.arrive $0xFFFF  }
0x80: {  	[sflag:s0] =	ssyncadd.tile.s32 @!p0 $0x1;
	_ =	shalt  }
.Lfunc_end2:
_tile_overlayer_lowered:
.L_overlay_start_2:
0x81: {  	(tag) =	ssettag $0x2  }
0x82: {  	s0 =	rddreg [dreg:$0x0];
	s2 =	stileid.u32  }
0x83: {  	s1 =	rddreg [dreg:$0x1];
	p0 =	sne.s32 s2, $0x0  }
0x84: {  	s3 =	rddreg [dreg:$0x2];
	[bflag:$0x3] =	sbarrier.arrive $0xFFFF;
	s2 =	simm.s32 @!p0 $0x1C02  }
0x85: {  	[timem:s3], [sflag:s2] =	dma.local @!p0 [hbm:s0], s1  }
0x86: {  	s0 =	simm.s32 @!p0 $0x2  }
0x87: {  	_ =	swait.ge @!p0 [sflag:s0], s1  }
0x88: {  	s1 =	ssub.s32 @!p0 $0x0, s1;
	[sflag:s0] =	ssyncset.done @!p0 $0x0  }
0x89: {  	[sflag:s0] =	ssyncadd.s32 @!p0 s1  }
0x8a: {  	[bflag:$0x3] =	sbarrier.arrive $0xFFFF  }
0x8b: {  	_ =	shalt  }

</sc_bundles>
